<compile_context>
chip_gen: v7x
topology: tpu7x:2x2x1
jax: 0.10.2.dev20260603
libtpu: 0.0.44.dev20260713+nightly
codegen_flags: <defaults>
</compile_context>

<pallas_src>
import jax
import jax.numpy as jnp
from jax.experimental import pallas as pl
from jax.experimental.pallas import tpu as pltpu

ALPHA = 0.8
GAMMA = 0.8

_LANES = 512
_AUX = 128
_BR = 256


def _roll(x, shift):
    return pltpu.roll(x, (-shift) % x.shape[1], axis=1)


def _update_kernel(a_ref, b_ref, p_ref, q_ref, o_ref):
    q = q_ref[:]
    br = q.shape[0]
    a = a_ref[:].astype(jnp.float32)
    b = b_ref[:].astype(jnp.float32)
    p = p_ref[:]

    rows_i = jax.lax.broadcasted_iota(jnp.int32, (_AUX, _LANES), 0)
    cols_i = jax.lax.broadcasted_iota(jnp.int32, (_AUX, _LANES), 1)
    e = (cols_i // 4 == rows_i).astype(jnp.float32)
    x3 = jnp.concatenate([b, 2.0 * a + b, p], axis=0)
    y = jax.lax.dot(x3, e, precision=jax.lax.Precision.HIGHEST)
    b4 = y[:br]
    t4 = y[br:2 * br]
    p4 = y[2 * br:]

    c = jax.lax.broadcasted_iota(jnp.int32, (br, _LANES), 1) % 4
    qnext = _roll(q, 1)
    qprev = _roll(q, -1)
    pairmax = jnp.maximum(q, jnp.where(c % 2 == 0, qnext, qprev))
    other = jnp.where(c < 2, _roll(pairmax, 2), _roll(pairmax, -2))
    m0 = jnp.where(c < 2, pairmax, other)
    m1 = jnp.where(c < 2, other, pairmax)
    maxv = jnp.where(b4 == 0.0, m0, m1)

    upd = q + ALPHA * (p4 + GAMMA * maxv - q)
    o_ref[:] = jnp.where(c.astype(jnp.float32) == t4, upd, q)


def kernel(type_t_matrix, type_t1_matrix, Q_tensor, profit_matrix):
    n = Q_tensor.shape[0]
    rows = n // _AUX
    qv = Q_tensor.reshape(rows, _LANES)
    av = type_t_matrix.reshape(rows, _AUX)
    bv = type_t1_matrix.reshape(rows, _AUX)
    pv = profit_matrix.reshape(rows, _AUX)

    out = pl.pallas_call(
        _update_kernel,
        grid=(rows // _BR,),
        in_specs=[
            pl.BlockSpec((_BR, _AUX), lambda i: (i, 0)),
            pl.BlockSpec((_BR, _AUX), lambda i: (i, 0)),
            pl.BlockSpec((_BR, _AUX), lambda i: (i, 0)),
            pl.BlockSpec((_BR, _LANES), lambda i: (i, 0)),
        ],
        out_specs=pl.BlockSpec((_BR, _LANES), lambda i: (i, 0)),
        out_shape=jax.ShapeDtypeStruct((rows, _LANES), jnp.float32),
        compiler_params=pltpu.CompilerParams(
            dimension_semantics=("arbitrary",),
        ),
    )(av, bv, pv, qv)
    return out.reshape(Q_tensor.shape)

# --- scband reference (transcript-rebuilt; emitter-appended) ---
"""Pipeline reference for scband-spgg-qlearning-51788715655333 (READ-ONLY COPY).

The authoritative reference and input builder live on the scoring server;
editing this copy changes nothing except your own understanding.
"""

import jax, jax.numpy as jnp
import numpy as np

L = 2048
ALPHA = 0.8
GAMMA = 0.8


def setup_inputs(seed: int = 0) -> dict:
    key = jax.random.key(seed)
    k1, k2, k3, k4 = jax.random.split(key, 4)
    type_t_matrix = jax.random.randint(k1, (L, L), 0, 2, dtype=jnp.int32)
    type_t1_matrix = jax.random.randint(k2, (L, L), 0, 2, dtype=jnp.int32)
    Q_tensor = jax.random.normal(k3, (L * L, 2, 2), dtype=jnp.float32)
    profit_matrix = jax.random.normal(k4, (L, L), dtype=jnp.float32)
    return {
        "type_t_matrix": type_t_matrix,
        "type_t1_matrix": type_t1_matrix,
        "Q_tensor": Q_tensor,
        "profit_matrix": profit_matrix,
    }


def reference(type_t_matrix, type_t1_matrix, Q_tensor, profit_matrix):
    # Faithful port of SPGG_Qlearning.updateQMatrix (the module's compute entry point).
    # alpha / gamma are init-time constants of the module.
    N = Q_tensor.shape[0]
    C_indices = jnp.arange(N)
    A_indices = type_t_matrix.reshape(-1).astype(jnp.int32)
    B_indices = type_t1_matrix.reshape(-1).astype(jnp.int32)
    # gather rows Q[C, B, :] then max over action axis -> max_a Q(s', a)
    max_values = jnp.max(Q_tensor[C_indices, B_indices], axis=1)
    old = Q_tensor[C_indices, A_indices, B_indices]
    update_values = old + ALPHA * (
        profit_matrix.reshape(-1) + GAMMA * max_values - old
    )
    # scatter-overwrite the updated Q values (indices are unique per row C)
    Q_new = Q_tensor.at[C_indices, A_indices, B_indices].set(update_values)
    return Q_new

if __name__ == "__main__":
    import jax
    _d = setup_inputs()
    print(jax.jit(kernel)(*tuple(_d.values())))

</pallas_src>

<mosaic_0001>
module attributes {stable_mosaic.version = 14 : i64} {
  func.func @_update_kernel(%arg0: i32, %arg1: memref<256x128xi32, #tpu.memory_space<vmem>>, %arg2: memref<256x128xi32, #tpu.memory_space<vmem>>, %arg3: memref<256x128xf32, #tpu.memory_space<vmem>>, %arg4: memref<256x512xf32, #tpu.memory_space<vmem>>, %arg5: memref<256x512xf32, #tpu.memory_space<vmem>>) attributes {dimension_semantics = [#tpu.dimension_semantics<arbitrary>], iteration_bounds = array<i64: 128>, scalar_prefetch = 0 : i64, scratch_operands = 0 : i64, tpu.core_type = #tpu.core_type<tc>, window_params = [{transform_indices = @transform_0, window_bounds = array<i64: 256, 128>}, {transform_indices = @transform_1, window_bounds = array<i64: 256, 128>}, {transform_indices = @transform_2, window_bounds = array<i64: 256, 128>}, {transform_indices = @transform_3, window_bounds = array<i64: 256, 512>}, {transform_indices = @transform_4, window_bounds = array<i64: 256, 512>}]} {
    %get3A = arith.constant 0 : index
    %get3A_0 = arith.constant 0 : index
    %get3A_1 = vector.load %arg4[%get3A, %get3A_0] : memref<256x512xf32, #tpu.memory_space<vmem>>, vector<256x512xf32>
    %get3A_2 = arith.constant 0 : index
    %get3A_3 = arith.constant 0 : index
    %get3A_4 = vector.load %arg1[%get3A_2, %get3A_3] : memref<256x128xi32, #tpu.memory_space<vmem>>, vector<256x128xi32>
    %convert_element_type3A = arith.sitofp %get3A_4 : vector<256x128xi32> to vector<256x128xf32>
    %get3A_5 = arith.constant 0 : index
    %get3A_6 = arith.constant 0 : index
    %get3A_7 = vector.load %arg2[%get3A_5, %get3A_6] : memref<256x128xi32, #tpu.memory_space<vmem>>, vector<256x128xi32>
    %convert_element_type3A_8 = arith.sitofp %get3A_7 : vector<256x128xi32> to vector<256x128xf32>
    %get3A_9 = arith.constant 0 : index
    %get3A_10 = arith.constant 0 : index
    %get3A_11 = vector.load %arg3[%get3A_9, %get3A_10] : memref<256x128xf32, #tpu.memory_space<vmem>>, vector<256x128xf32>
    %iota3A = tpu.iota {dimensions = array<i32: 0>} : vector<128x512xi32>
    %iota3A_12 = tpu.iota {dimensions = array<i32: 1>} : vector<128x512xi32>
    %jit3A = arith.constant 4 : i32
    %div3A = vector.broadcast %jit3A : i32 to vector<128x512xi32>
    %div3A_13 = arith.divsi %iota3A_12, %div3A : vector<128x512xi32>
    %sign3A = arith.constant 0 : i32
    %sign3A_14 = vector.broadcast %sign3A : i32 to vector<128x512xi32>
    %sign3A_15 = arith.cmpi sgt, %iota3A_12, %sign3A_14 : vector<128x512xi32>
    %sign3A_16 = arith.extui %sign3A_15 : vector<128x512xi1> to vector<128x512xi32>
    %sign3A_17 = arith.constant 0 : i32
    %sign3A_18 = vector.broadcast %sign3A_17 : i32 to vector<128x512xi32>
    %sign3A_19 = arith.cmpi slt, %iota3A_12, %sign3A_18 : vector<128x512xi32>
    %sign3A_20 = arith.extui %sign3A_19 : vector<128x512xi1> to vector<128x512xi32>
    %sign3A_21 = arith.subi %sign3A_16, %sign3A_20 : vector<128x512xi32>
    %sign3A_22 = arith.constant 0 : i32
    %sign3A_23 = arith.cmpi sgt, %jit3A, %sign3A_22 : i32
    %sign3A_24 = arith.extui %sign3A_23 : i1 to i32
    %sign3A_25 = arith.constant 0 : i32
    %sign3A_26 = arith.cmpi slt, %jit3A, %sign3A_25 : i32
    %sign3A_27 = arith.extui %sign3A_26 : i1 to i32
    %sign3A_28 = arith.subi %sign3A_24, %sign3A_27 : i32
    %ne3A = vector.broadcast %sign3A_28 : i32 to vector<128x512xi32>
    %ne3A_29 = arith.cmpi ne, %sign3A_21, %ne3A : vector<128x512xi32>
    %rem3A = vector.broadcast %jit3A : i32 to vector<128x512xi32>
    %rem3A_30 = arith.remsi %iota3A_12, %rem3A : vector<128x512xi32>
    %ne3A_31 = arith.constant 0 : i32
    %ne3A_32 = vector.broadcast %ne3A_31 : i32 to vector<128x512xi32>
    %ne3A_33 = arith.cmpi ne, %rem3A_30, %ne3A_32 : vector<128x512xi32>
    %and3A = arith.andi %ne3A_29, %ne3A_33 : vector<128x512xi1>
    %sub3A = arith.constant 1 : i32
    %sub3A_34 = vector.broadcast %sub3A : i32 to vector<128x512xi32>
    %sub3A_35 = arith.subi %div3A_13, %sub3A_34 : vector<128x512xi32>
    %select_n3A = arith.select %and3A, %sub3A_35, %div3A_13 : vector<128x512xi1>, vector<128x512xi32>
    %eq3A = arith.cmpi eq, %select_n3A, %iota3A : vector<128x512xi32>
    %convert_element_type3A_36 = arith.extui %eq3A : vector<128x512xi1> to vector<128x512xi32>
    %convert_element_type3A_37 = arith.sitofp %convert_element_type3A_36 : vector<128x512xi32> to vector<128x512xf32>
    %mul3A = arith.constant 2.000000e+00 : f32
    %mul3A_38 = vector.broadcast %mul3A : f32 to vector<256x128xf32>
    %mul3A_39 = arith.mulf %mul3A_38, %convert_element_type3A : vector<256x128xf32>
    %add3A = arith.addf %mul3A_39, %convert_element_type3A_8 : vector<256x128xf32>
    %concatenate3A = tpu.concatenate %convert_element_type3A_8, %add3A, %get3A_11 in 0 : vector<256x128xf32>, vector<256x128xf32>, vector<256x128xf32> -> vector<768x128xf32>
    %dot_general3A = arith.constant dense<0.000000e+00> : vector<768x512xf32>
    %dot_general3A_40 = tpu.matmul %concatenate3A, %convert_element_type3A_37, %dot_general3A {dimension_numbers = #tpu.dot_dimension_numbers<[1], [0], [0], [1], [0, 0, 1, 1], [], []>, precision = #tpu.contract_precision<fp32>, transpose_lhs_hint = false} : vector<768x128xf32>, vector<128x512xf32>, vector<768x512xf32> -> vector<768x512xf32>
    %slice3A = vector.extract_strided_slice %dot_general3A_40 {offsets = [0, 0], sizes = [256, 512], strides = [1, 1]} : vector<768x512xf32> to vector<256x512xf32>
    %slice3A_41 = vector.extract_strided_slice %dot_general3A_40 {offsets = [256, 0], sizes = [256, 512], strides = [1, 1]} : vector<768x512xf32> to vector<256x512xf32>
    %slice3A_42 = vector.extract_strided_slice %dot_general3A_40 {offsets = [512, 0], sizes = [256, 512], strides = [1, 1]} : vector<768x512xf32> to vector<256x512xf32>
    %iota3A_43 = tpu.iota {dimensions = array<i32: 1>} : vector<256x512xi32>
    %jit3A_44 = arith.constant 4 : i32
    %eq3A_45 = arith.constant 0 : i32
    %eq3A_46 = arith.cmpi eq, %jit3A_44, %eq3A_45 : i32
    %jit3A_47 = arith.constant 1 : i32
    %select_n3A_48 = arith.select %eq3A_46, %jit3A_47, %jit3A_44 : i32
    %rem3A_49 = vector.broadcast %select_n3A_48 : i32 to vector<256x512xi32>
    %rem3A_50 = arith.remsi %iota3A_43, %rem3A_49 : vector<256x512xi32>
    %ne3A_51 = arith.constant 0 : i32
    %ne3A_52 = vector.broadcast %ne3A_51 : i32 to vector<256x512xi32>
    %ne3A_53 = arith.cmpi ne, %rem3A_50, %ne3A_52 : vector<256x512xi32>
    %lt3A = arith.constant 0 : i32
    %lt3A_54 = vector.broadcast %lt3A : i32 to vector<256x512xi32>
    %lt3A_55 = arith.cmpi slt, %rem3A_50, %lt3A_54 : vector<256x512xi32>
    %lt3A_56 = arith.constant 0 : i32
    %lt3A_57 = arith.cmpi slt, %select_n3A_48, %lt3A_56 : i32
    %ne3A_58 = vector.broadcast %lt3A_57 : i1 to vector<256x512xi1>
    %ne3A_59 = vector.broadcast %ne3A_58 : vector<256x512xi1> to vector<256x512xi1>
    %ne3A_60 = arith.xori %lt3A_55, %ne3A_59 : vector<256x512xi1>
    %and3A_61 = arith.andi %ne3A_60, %ne3A_53 : vector<256x512xi1>
    %add3A_62 = vector.broadcast %select_n3A_48 : i32 to vector<256x512xi32>
    %add3A_63 = arith.addi %rem3A_50, %add3A_62 : vector<256x512xi32>
    %select_n3A_64 = arith.select %and3A_61, %add3A_63, %rem3A_50 : vector<256x512xi1>, vector<256x512xi32>
    %roll3A = arith.constant 511 : i32
    %roll3A_65 = tpu.dynamic_rotate %get3A_1 by %roll3A dim 1 : vector<256x512xf32>, i32 -> vector<256x512xf32>
    %roll3A_66 = arith.constant 1 : i32
    %roll3A_67 = tpu.dynamic_rotate %get3A_1 by %roll3A_66 dim 1 : vector<256x512xf32>, i32 -> vector<256x512xf32>
    %jit3A_68 = arith.constant 2 : i32
    %eq3A_69 = arith.constant 0 : i32
    %eq3A_70 = arith.cmpi eq, %jit3A_68, %eq3A_69 : i32
    %jit3A_71 = arith.constant 1 : i32
    %select_n3A_72 = arith.select %eq3A_70, %jit3A_71, %jit3A_68 : i32
    %rem3A_73 = vector.broadcast %select_n3A_72 : i32 to vector<256x512xi32>
    %rem3A_74 = arith.remsi %select_n3A_64, %rem3A_73 : vector<256x512xi32>
    %ne3A_75 = arith.constant 0 : i32
    %ne3A_76 = vector.broadcast %ne3A_75 : i32 to vector<256x512xi32>
    %ne3A_77 = arith.cmpi ne, %rem3A_74, %ne3A_76 : vector<256x512xi32>
    %lt3A_78 = arith.constant 0 : i32
    %lt3A_79 = vector.broadcast %lt3A_78 : i32 to vector<256x512xi32>
    %lt3A_80 = arith.cmpi slt, %rem3A_74, %lt3A_79 : vector<256x512xi32>
    %lt3A_81 = arith.constant 0 : i32
    %lt3A_82 = arith.cmpi slt, %select_n3A_72, %lt3A_81 : i32
    %ne3A_83 = vector.broadcast %lt3A_82 : i1 to vector<256x512xi1>
    %ne3A_84 = vector.broadcast %ne3A_83 : vector<256x512xi1> to vector<256x512xi1>
    %ne3A_85 = arith.xori %lt3A_80, %ne3A_84 : vector<256x512xi1>
    %and3A_86 = arith.andi %ne3A_85, %ne3A_77 : vector<256x512xi1>
    %add3A_87 = vector.broadcast %select_n3A_72 : i32 to vector<256x512xi32>
    %add3A_88 = arith.addi %rem3A_74, %add3A_87 : vector<256x512xi32>
    %select_n3A_89 = arith.select %and3A_86, %add3A_88, %rem3A_74 : vector<256x512xi1>, vector<256x512xi32>
    %eq3A_90 = arith.constant 0 : i32
    %eq3A_91 = vector.broadcast %eq3A_90 : i32 to vector<256x512xi32>
    %eq3A_92 = arith.cmpi eq, %select_n3A_89, %eq3A_91 : vector<256x512xi32>
    %select_n3A_93 = arith.select %eq3A_92, %roll3A_65, %roll3A_67 : vector<256x512xi1>, vector<256x512xf32>
    %max3A = arith.maximumf %get3A_1, %select_n3A_93 : vector<256x512xf32>
    %lt3A_94 = arith.constant 2 : i32
    %lt3A_95 = vector.broadcast %lt3A_94 : i32 to vector<256x512xi32>
    %lt3A_96 = arith.cmpi slt, %select_n3A_64, %lt3A_95 : vector<256x512xi32>
    %roll3A_97 = arith.constant 510 : i32
    %roll3A_98 = tpu.dynamic_rotate %max3A by %roll3A_97 dim 1 : vector<256x512xf32>, i32 -> vector<256x512xf32>
    %roll3A_99 = arith.constant 2 : i32
    %roll3A_100 = tpu.dynamic_rotate %max3A by %roll3A_99 dim 1 : vector<256x512xf32>, i32 -> vector<256x512xf32>
    %select_n3A_101 = arith.select %lt3A_96, %roll3A_98, %roll3A_100 : vector<256x512xi1>, vector<256x512xf32>
    %lt3A_102 = arith.constant 2 : i32
    %lt3A_103 = vector.broadcast %lt3A_102 : i32 to vector<256x512xi32>
    %lt3A_104 = arith.cmpi slt, %select_n3A_64, %lt3A_103 : vector<256x512xi32>
    %select_n3A_105 = arith.select %lt3A_104, %max3A, %select_n3A_101 : vector<256x512xi1>, vector<256x512xf32>
    %lt3A_106 = arith.constant 2 : i32
    %lt3A_107 = vector.broadcast %lt3A_106 : i32 to vector<256x512xi32>
    %lt3A_108 = arith.cmpi slt, %select_n3A_64, %lt3A_107 : vector<256x512xi32>
    %select_n3A_109 = arith.select %lt3A_108, %select_n3A_101, %max3A : vector<256x512xi1>, vector<256x512xf32>
    %eq3A_110 = arith.constant 0.000000e+00 : f32
    %eq3A_111 = vector.broadcast %eq3A_110 : f32 to vector<256x512xf32>
    %eq3A_112 = arith.cmpf oeq, %slice3A, %eq3A_111 : vector<256x512xf32>
    %select_n3A_113 = arith.select %eq3A_112, %select_n3A_105, %select_n3A_109 : vector<256x512xi1>, vector<256x512xf32>
    %mul3A_114 = arith.constant 8.000000e-01 : f32
    %mul3A_115 = vector.broadcast %mul3A_114 : f32 to vector<256x512xf32>
    %mul3A_116 = arith.mulf %mul3A_115, %select_n3A_113 : vector<256x512xf32>
    %add3A_117 = arith.addf %slice3A_42, %mul3A_116 : vector<256x512xf32>
    %sub3A_118 = arith.subf %add3A_117, %get3A_1 : vector<256x512xf32>
    %mul3A_119 = arith.constant 8.000000e-01 : f32
    %mul3A_120 = vector.broadcast %mul3A_119 : f32 to vector<256x512xf32>
    %mul3A_121 = arith.mulf %mul3A_120, %sub3A_118 : vector<256x512xf32>
    %add3A_122 = arith.addf %get3A_1, %mul3A_121 : vector<256x512xf32>
    %convert_element_type3A_123 = arith.sitofp %select_n3A_64 : vector<256x512xi32> to vector<256x512xf32>
    %eq3A_124 = arith.cmpf oeq, %convert_element_type3A_123, %slice3A_41 : vector<256x512xf32>
    %select_n3A_125 = arith.select %eq3A_124, %add3A_122, %get3A_1 : vector<256x512xi1>, vector<256x512xf32>
    %swap3A = arith.constant 0 : index
    %swap3A_126 = arith.constant 0 : index
    %swap3A_127 = vector.load %arg5[%swap3A, %swap3A_126] : memref<256x512xf32, #tpu.memory_space<vmem>>, vector<256x512xf32>
    tpu.vector_store %arg5[%swap3A, %swap3A_126], %select_n3A_125 {strides = array<i32>} : memref<256x512xf32, #tpu.memory_space<vmem>>, vector<256x512xf32>,
    return
  }
  func.func @transform_0(%arg0: i32) -> (i32, i32) {
    %c0_i32 = arith.constant 0 : i32
    %c0_i32_0 = arith.constant 0 : i32
    return %arg0, %c0_i32 : i32, i32
  }
  func.func @transform_1(%arg0: i32) -> (i32, i32) {
    %c0_i32 = arith.constant 0 : i32
    %c0_i32_0 = arith.constant 0 : i32
    return %arg0, %c0_i32 : i32, i32
  }
  func.func @transform_2(%arg0: i32) -> (i32, i32) {
    %c0_i32 = arith.constant 0 : i32
    %c0_i32_0 = arith.constant 0 : i32
    return %arg0, %c0_i32 : i32, i32
  }
  func.func @transform_3(%arg0: i32) -> (i32, i32) {
    %c0_i32 = arith.constant 0 : i32
    %c0_i32_0 = arith.constant 0 : i32
    return %arg0, %c0_i32 : i32, i32
  }
  func.func @transform_4(%arg0: i32) -> (i32, i32) {
    %c0_i32 = arith.constant 0 : i32
    %c0_i32_0 = arith.constant 0 : i32
    return %arg0, %c0_i32 : i32, i32
  }
}

</mosaic_0001>

<sc_bundles>
// kernel: sparse-core-data-format-call.cloned.1.call-start
scs
called_computation_lowered:
.L_overlay_start_0:
0x0: {  	s2 =	sld [smem:$0x3FD9]  }
0x1: {  	s3 =	sld [smem:$0x3FFE];
	_ =	sdelay $0x1  }
0x2: {  	s1 =	srdreg.scid  }
0x3: {  	s0 =	sand.u32 $0x1, s1  }
0x4: {  	s18 =	sshll.u32 s0, $0xA;
	s2 =	sadd.s32 s3, s2  }
0x5: {  	s2 =	sadd.s32 s2, s18  }
0x6: {  	[smem:$0x3FC4] =	sst s2  }
0x7: {  	_ = 	snop  }
0x8: {  	s2 =	sld [smem:$0x3FD0];
	(tm) =	ssettm $0x1  }
0x9: {  	s19 =	sld [smem:$0x3FFB];
	_ =	sdelay $0x3  }
0xa: {  	_ =	strace s19  }
0xb: {  	s3 =	sld [smem:$0x3FFC];
	_ =	sdelay $0x3  }
0xc: {  	_ =	strace s3  }
0xd: {  	s3 =	sld [smem:$0x3FFD];
	_ =	sdelay $0x3  }
0xe: {  	_ =	strace s3  }
0xf: {  	_ =	strace $0x8FFFFFFF  }
0x10: {  	s20 =	sld [smem:$0x3FDB];
	_ =	sdelay $0x1  }
0x11: {  	s4 =	simm.s32 $_scs_section_size  }
0x12: {  	s5 =	simm.s32 $_size__tile_overlayer_lowered;
	s6 =	simm.s32 $_tile_overlayer_lowered  }
0x13: {  	s23 =	simm.s32 $0x1BFF;
	s22 =	sshll.u32 s6, $0x1;
	s3 =	sadd.s32 s4, s20  }
0x14: {  	s7 =	simm.s32 $0x0;
	s21 =	sshll.u32 s5, $0x1;
	s5 =	sadd.s32 s22, s3  }
0x15: {  	[timem:s7], [sflag:s23] =	dma.local [hbm:s5], s21  }
0x16: {  	_ =	swait.ge [sflag:s23], s21  }
0x17: {  	s4 =	ssub.s32 $0x0, s21;
	[sflag:s23] =	ssyncset.done $0x0  }
0x18: {  	[sflag:s23] =	ssyncadd.s32 s4;
	_ =	sdelay $0x1  }
0x19: {  	s24 =	simm.s32 $0x1B8B  }
0x1a: {  	_ =	swait.ge [sflag:s24], $0x1  }
0x1b: {  	[sflag:s24] =	ssyncset.done $0x0  }
0x1c: {  	s26 =	simm.s32 $0x1B8E;
	s25 =	sld [smem:$0x3FFE];
	[sflag:s24] =	ssyncadd.s32 $0xFFFFFFFF  }
0x1d: {  	s27 =	simm.s32 $execute0_lowered;
	[smem:$0x3FD2] =	sst s26  }
0x1e: {  	s5 =	sshll.u32 s27, $0x1;
	_ =	strace $0x80000046;
	[dreg:$0x1] =	wrdreg $0xFFFFFFFF  }
0x1f: {  	s28 =	simm.s32 $_size_execute0_lowered;
	s3 =	sadd.s32 s3, s5;
	[dreg:$0x0] =	wrdreg $0x0  }
0x20: {  	s5 =	sshll.u32 s28, $0x1;
	[dreg:$0x2] =	wrdreg s3  }
0x21: {  	[dreg:$0x3] =	wrdreg s5  }
0x22: {  	[dreg:$0x4] =	wrdreg $0xC0  }
0x23: {  	_ =	task [dreg:s7], $0x5FFFF  }
0x24: {  	[dreg:$0x1] =	wrdreg $0xFFFFFFFF  }
0x25: {  	[dreg:$0x0] =	wrdreg $0x60  }
0x26: {  	[dreg:$0x2] =	wrdreg s25  }
0x27: {  	[dreg:$0x3] =	wrdreg s2  }
0x28: {  	[dreg:$0x4] =	wrdreg $0x9  }
0x29: {  	_ =	task.clear_ibuf [dreg:s7], $0x5FFFF;
	_ =	strace $0x90000046  }
0x2a: {  	s29 =	simm.s32 $0x9;
	_ =	strace $0x80000048  }
0x2b: {  	_ =	swait.ge [sflag:s29], $0x1  }
0x2c: {  	[sflag:s29] =	ssyncadd.s32 $0xFFFFFFFF  }
0x2d: {  	_ =	strace $0x90000048  }
0x2e: {  	_ =	sfence  }
0x2f: {  	s30 =	sld [smem:$0x0];
	_ =	sdelay $0x2  }
0x30: {  	s31 =	sshll.u32 s1, $0xD;
	s1 =	sshrl.u32 s1, $0x2  }
0x31: {  	s3 =	sand.u32 $0x4000, s31;
	s1 =	sadd.s32 s1, s30  }
0x32: {  	s0 =	sor.u32 s3, s0;
	s1 =	sshll.u32 s1, $0x11  }
0x33: {  	s0 =	sor.u32 s1, s0  }
0x34: {  	s0 =	sadd.s32 $0x8F2B, s0  }
0x35: {  	[sflag:s0] =	ssyncadd.remote.s32 $0x1  }
0x36: {  	_ =	sfence.sel $0xFFFF  }
0x37: {  	[dreg:$0x0] =	wrdreg $0xFFFFFFFF;
	(pc) =	sbr.abs _section_cstart, $3  }
0x38: {  	[dreg:$0x1] =	wrdreg $0xFFFFFFFF  }
0x39: {  	_ =	task.clear_ibuf [dreg:s7], $0x2FFFF;
	_ =	strace $0x9FFFFFFF  }
0x3a: {  	(tm) =	ssettm $0x7FFFFFFF  }
0x3b: {  	_ =	shalt  }
tec
execute0_lowered:
.L_overlay_start_1:
0x0: {  	(tag) =	ssettag $0x1  }
0x1: {  	s5 =	rddreg [dreg:$0x0]  }
0x2: {  	s0 =	srdreg.scid;
	s3 =	rddreg [dreg:$0x1];
	s7 =	simm.s32 $0x1  }
0x3: {  	s8 =	simm.s32 $0x2;
	s15 =	simm.s32 $0x0;
	s1 =	sshll.u32 s0, $0x4  }
0x4: {  	s14 =	simm.s32 $0x0;
	s0 =	stileid.u32;
	s1 =	sand.u32 $0x10, s1  }
0x5: {  	s9 =	simm.s32 $0x0;
	s10 =	simm.s32 $0x0;
	s1 =	sor.u32 s0, s1  }
0x6: {  	s11 =	simm.s32 $0x0;
	s13 =	simm.s32 $0x0;
	s2 =	sshll.u32 s1, $0x7  }
0x7: {  	s5 =	sadd.s32 $0x300400, s5;
	s1 =	rddreg [dreg:$0x2];
	s6 =	ssub.s32 $0x400000, s2  }
.Ltmp0:
0x8: {  	_ =	strace $0x80000047;
	s4 =	sand.u32 $0xF80, s6;
	(pc) =	sbr.rel .LBB1_1-.Ltmp0, $4  }
0x9: {  	s12 =	smov.u32 s2;
	p0 =	sne.s32 s4, $0x0;
	s4 =	simm.s32 $0x1  }
0xa: {  	s6 =	sshrl.u32 s6, $0xC;
	s7 =	simm.s32 @!p0 $0x0;
	[sflag:s4] =	ssyncpa.u1 $0x0  }
0xb: {  	p0 =	por $0x0, $0x0;
	s7 =	sadd.s32 s7, s6;
	[sflag:s8] =	ssyncpa.u1 $0x0  }
0xc: {  	s8 =	simm.s32 $0x800000;
	s6 =	sshll.u32 s7, $0x1;
	s7 =	sshllo.u32 s7, $0x1  }
.LBB1_4:
0xd: {  	p1 =	sgt.s32 s9, $0x1  }
0xe: {  	s18 =	smov.u32 s9;
	s19 =	sshra.s32 s9, $0x1F;
	s20 =	sshll.u32 s10, $0x1  }
0xf: {  	s21 =	smov.u32 s10;
	s22 =	sshra.s32 s10, $0x1F;
	s24 =	sand.u32 $0x78, s10  }
0x10: {  	s25 =	sshll.u32 s9, $0x14;
	s26 =	sshrl.u32 s10, $0x2;
	s27 =	sand.u32 $0x7, s10  }
0x11: {  	s18 =	simm.s32 @!p1 $0x1;
	s19 =	sand.u32 s19, s9;
	p1 =	sgt.s32 s10, $0x3FFF80  }
0x12: {  	s23 =	sand.u32 s22, s10;
	s19 =	sxor.u32 $0xFFFFFFFF, s19;
	s21 =	simm.s32 @!p1 $0x3FFF80  }
0x13: {  	s20 =	sand.u32 $0x3FFF00, s20;
	s18 =	sadd.s32 s19, s18;
	s19 =	ssub.s32 s21, s23  }
0x14: {  	p1 =	sgt.s32 s18, $0x0;
	s18 =	sshll.u32 s18, $0x1;
	s21 =	sadd.s32 $0xFFC00080, s19  }
0x15: {  	s19 =	ssub.s32 $0x400000, s19;
	s18 =	ssub.s32 $0x2, s18;
	p2 =	sgt.s32 s21, $0x7F  }
0x16: {  	s20 =	sor.u32 s24, s20;
	s18 =	simm.s32 @p1 $0x0;
	s19 =	simm.s32 @p2 $0x0  }
0x17: {  	s21 =	sand.u32 $0x80000, s26;
	s18 =	smul.u32 s19, s18;
	s19 =	sadd.s32 s3, s25  }
0x18: {  	s28 =	sshll.u32 s27, $0x12;
	s20 =	sshrl.u32 s20, $0x3;
	s19 =	sadd.s32 s21, s19  }
0x19: {  	[tilespmem:s17+$0x0 ss:$0x81] =	vst.msk $0xffff, v0;
	s31 =	sor.u32 $0x100, s28;
	s29 =	sand.u32 $0x3FFFFFFE, s18;
	s30 =	sadd.s32 s20, s19  }
0x1a: {  	[hbm4b:s30+s31] =	stream.strided.scatter [tilespmem:s16], [sflag:$0x2], s29, s8, s31, $0x20;
	[tilespmem:$0x4040] =	vst v63  }
.LBB1_5:
0x1b: {  	p1 =	slt.u32 s13, $0x2  }
0x1c: {  	p2 =	sgt.s32 @!p1 s15, $0x1  }
0x1d: {  	s16 =	smov.u32 s15;
	s17 =	sshra.s32 @!p1 s15, $0x1F;
	p2 =	por !p2, p1  }
0x1e: {  	s18 =	sshra.s32 @!p1 s14, $0x1F;
	s16 =	simm.s32 @p2 $0x1;
	p2 =	sgt.s32 @!p1 s14, $0x3FFF80  }
0x1f: {  	s15 =	sand.u32 @!p1 s17, s15;
	s17 =	smov.u32 s14;
	p2 =	por !p2, p1  }
0x20: {  	s15 =	sxor.u32 @!p1 $0xFFFFFFFF, s15;
	s14 =	sand.u32 @!p1 s18, s14;
	s17 =	simm.s32 @p2 $0x3FFF80  }
0x21: {  	s15 =	sadd.s32 @!p1 s15, s16;
	s14 =	ssub.s32 @!p1 s17, s14  }
0x22: {  	s18 =	smov.u32 s12;
	s16 =	sshll.u32 @!p1 s15, $0x1;
	s17 =	sadd.s32 @!p1 $0xFFC00080, s14  }
0x23: {  	p2 =	sgt.s32 @!p1 s15, $0x0;
	s15 =	ssub.s32 @!p1 $0x2, s16;
	p3 =	sgt.s32 @!p1 s17, $0x7F  }
0x24: {  	p2 =	por !p2, p1;
	s14 =	ssub.s32 @!p1 $0x400000, s14;
	p3 =	por !p3, p1  }
0x25: {  	s16 =	sadd.s32 $0x1, s11;
	s15 =	simm.s32 @!p2 $0x0;
	s14 =	simm.s32 @!p3 $0x0  }
0x26: {  	p2 =	sgt.s32 s16, $0x1;
	s14 =	smul.u32 @!p1 s14, s15;
	s15 =	sadd.s32 $0x1000, s12  }
0x27: {  	s18 =	smov.u32 @p2 s15  }
0x28: {  	s16 =	simm.s32 @p2 $0x0;
	p2 =	sgt.s32 s18, $0x3FFFFF  }
0x29: {  	s18 =	smov.u32 @p2 s2;
	p2 =	sne.s32 s13, s7  }
.Ltmp1:
0x2a: {  	p0 =	por !p0, !p0;
	s17 =	simm.s32 @!p1 $0x2;
	(pc) =	sbr.rel @!p2 .LBB1_6-.Ltmp1, $4  }
0x2b: {  	s15 =	smov.u32 s9;
	s9 =	smov.u32 s11;
	s14 =	sand.u32 @!p1 $0x3FFFFFFE, s14  }
0x2c: {  	s11 =	smov.u32 s16;
	_ =	swait.ge @!p1 [sflag:s17], s14;
	s19 =	ssub.s32 @!p1 $0x0, s14  }
0x2d: {  	s14 =	smov.u32 s10;
	s13 =	sadd.s32 $0x1, s13;
	[sflag:s17] =	ssyncset.done @!p1 $0x0  }
0x2e: {  	s10 =	smov.u32 s12;
	s12 =	smov.u32 s18;
	[sflag:s17] =	ssyncadd.s32 @!p1 s19  }
.LBB1_1:
0x2f: {  	p1 =	sge.u32 s13, s6  }
0x30: {  	s31 =	sadd.s32 $0xFFFFFFFF, s13;
	s16 =	sxor.u32 @!p1 $0xFFFFFFFF, s13  }
0x31: {  	s17 =	sshll.u32 @!p1 s12, $0x5;
	s18 =	sshll.u32 @!p1 s11, $0x4;
	s19 =	simm.s32 @!p1 $0x100  }
0x32: {  	s16 =	sshll.u32 @!p1 s16, $0xC;
	s18 =	sand.u32 @!p1 $0x10, s18;
	s17 =	sadd.s32 @!p1 s5, s17  }
0x33: {  	s16 =	sand.u32 @!p1 $0x1000, s16;
	s17 =	sadd.s32 @!p1 s18, s17;
	s18 =	simm.s32 @!p1 $0x20  }
0x34: {  	[tilespmem:s16], [sflag:$0x1] =	stream.strided.gather @!p1 [hbm4b:s17+s18], $0x1000, s19, s18, $0x38;
	[tilespmem:$0x4040] =	vst v63  }
0x35: {  	p1 =	sge.u32 s31, s6  }
.Ltmp2:
0x36: {  	_ = 	snop;
	(pc) =	sbr.rel @p1 .LBB1_5-.Ltmp2, $1  }
0x37: {  	_ =	sdelay $0x3  }
0x38: {  	s16 =	simm.s32 $0x1  }
0x39: {  	_ =	swait.ge [sflag:s4], $0x1000;
	s16 =	simm.s32 @!p0 $0x0  }
0x3a: {  	[sflag:s4] =	ssyncset.done $0x0;
	s17 =	sshll.u32 s16, $0xC  }
0x3b: {  	[sflag:s4] =	ssyncadd.s32 $0xFFFFF000;
	s20 =	sor.u32 $0x10, s17  }
0x3c: {  	s16 =	smul.u32 $0x4080, s16;
	v1 =	vld [tilespmem:s20+$0x0]  }
0x3d: {  	s30 =	sand.u32 $0x1, s13;
	v0 =	vld [tilespmem:s20+$0xFFFFFFF0]  }
0x3e: {  	s17 =	smul.u32 $0x4080, s30;
	s16 =	sshrl.u32 s16, $0x2  }
0x3f: {  	s18 =	sor.u32 $0x2000, s16  }
0x40: {  	s31 =	sshrl.u32 s17, $0x2;
	s17 =	sadd.s32 $0x0, s18  }
0x41: {  	s19 =	simm.s32 $0x4;
	s20 =	sadd.s32 $0x20, s20;
	s16 =	sor.u32 $0x2000, s31;
	[tilespmem:s17+$0x810 ss:$0x81] =	vst.msk $0xffff, v1  }
.LBB1_3:
0x42: {  	v1 =	vld [tilespmem:s20+$0x0];
	p1 =	sne.s32 s19, $0x1FC;
	[tilespmem:s17+$0x0 ss:$0x81] =	vst.msk $0xffff, v0;
	s17 =	smov.u32 s19;
	s19 =	sadd.s32 $0x4, s19  }
.Ltmp3:
0x43: {  	v0 =	vld [tilespmem:s20+$0xFFFFFFF0];
	(pc) =	sbr.rel @p1 .LBB1_3-.Ltmp3, $4  }
0x44: {  	_ = 	snop  }
0x45: {  	s17 =	sshra.s32 s17, $0x2  }
0x46: {  	s17 =	sadd.s32 s17, s18  }
0x47: {  	s20 =	sadd.s32 $0x20, s20;
	[tilespmem:s17+$0x810 ss:$0x81] =	vst.msk $0xffff, v1  }
.Ltmp4:
0x48: {  	_ = 	snop;
	(pc) =	sbr.rel .LBB1_4-.Ltmp4, $1  }
0x49: {  	_ =	sdelay $0x3  }
.LBB1_6:
0x4a: {  	_ =	sfence.sel $0x180000  }
0x4b: {  	s2 =	simm.s32 $0x1;
	[bflag:$0x0] =	sbarrier.arrive $0xFFFF  }
0x4c: {  	s31 =	simm.s32 $0x2;
	[sflag:s2] =	ssyncpa.u1 $0x1  }
0x4d: {  	[sflag:s31] =	ssyncpa.u1 $0x1  }
0x4e: {  	p0 =	sne.s32 s0, $0x0;
	_ =	strace $0x90000047  }
0x4f: {  	s0 =	sadd.s32 @!p0 $0x100000, s1;
	[bflag:$0x2] =	sbarrier.arrive $0xFFFF  }
0x50: {  	[sflag:s0] =	ssyncadd.tile.s32 @!p0 $0x1;
	_ =	shalt  }
.Lfunc_end1:
_tile_overlayer_lowered:
.L_overlay_start_2:
0x51: {  	(tag) =	ssettag $0x2  }
0x52: {  	s0 =	rddreg [dreg:$0x0];
	s2 =	stileid.u32  }
0x53: {  	s1 =	rddreg [dreg:$0x1];
	p0 =	sne.s32 s2, $0x0  }
0x54: {  	s3 =	rddreg [dreg:$0x2];
	[bflag:$0x3] =	sbarrier.arrive $0xFFFF;
	s2 =	simm.s32 @!p0 $0x1C01  }
0x55: {  	[timem:s3], [sflag:s2] =	dma.local @!p0 [hbm:s0], s1  }
0x56: {  	s0 =	simm.s32 @!p0 $0x1  }
0x57: {  	_ =	swait.ge @!p0 [sflag:s0], s1  }
0x58: {  	s1 =	ssub.s32 @!p0 $0x0, s1;
	[sflag:s0] =	ssyncset.done @!p0 $0x0  }
0x59: {  	[sflag:s0] =	ssyncadd.s32 @!p0 s1  }
0x5a: {  	[bflag:$0x3] =	sbarrier.arrive $0xFFFF  }
0x5b: {  	_ =	shalt  }

</sc_bundles>
